<compile_context>
chip_gen: v7x
topology: tpu7x:2x2x1
jax: 0.10.2.dev20260603
libtpu: 0.0.44.dev20260713+nightly
codegen_flags: <defaults>
</compile_context>

<pallas_src>
import functools

import jax
import jax.numpy as jnp
from jax import lax
from jax.experimental import pallas as pl
from jax.experimental.pallas import tpu as pltpu
from jax.experimental.pallas import tpu_sc as plsc

_NUM_NODE_TYPES = 4
_NUM_EDGE_TYPES = 6
_D = 128
_N = 50000
_E = 800000
_ROWS = _N + _E

_CHUNK = 400
_SUB = 80
_NSUB = _CHUNK // _SUB
_NCHUNKS = _ROWS // _CHUNK


def _make_sc_kernel(nworkers: int):
    mesh = plsc.VectorSubcoreMesh(core_axis_name="c", subcore_axis_name="s")
    max_k = -(-_NCHUNKS // nworkers)
    n_outer = (max_k + 1) // 2

    @functools.partial(
        pl.kernel,
        mesh=mesh,
        out_type=jax.ShapeDtypeStruct((_ROWS, _D), jnp.float32),
        scratch_types=[
            pltpu.VMEM((_NSUB, _SUB), jnp.int32),
            pltpu.VMEM((_NSUB, _SUB), jnp.int32),
            pltpu.VMEM((_CHUNK, _D), jnp.float32),
            pltpu.VMEM((_CHUNK, _D), jnp.float32),
            pltpu.SemaphoreType.DMA,
            pltpu.SemaphoreType.DMA,
            pltpu.SemaphoreType.DMA,
            pltpu.SemaphoreType.DMA,
        ],
    )
    def k(ids_hbm, table_hbm, out_hbm,
          idx0, idx1, rows0, rows1, gsem0, gsem1, ssem0, ssem1):
        info = plsc.get_sparse_core_info()
        ns = info.num_subcores
        wid = lax.axis_index("c") * ns + lax.axis_index("s")
        idxs = (idx0, idx1)
        rowss = (rows0, rows1)
        gsems = (gsem0, gsem1)
        ssems = (ssem0, ssem1)

        def step(k2, carry):
            for b in range(2):
                kk = k2 * 2 + b
                ci = wid + nworkers * kk
                valid = ci < _NCHUNKS
                idx = idxs[b]
                rows = rowss[b]

                @pl.when(jnp.logical_and(valid, kk >= 2))
                def _():
                    pltpu.make_async_copy(
                        rows, out_hbm.at[pl.ds(0, _CHUNK)], ssems[b]).wait()

                @pl.when(valid)
                def _():
                    pltpu.sync_copy(ids_hbm.at[ci], idx)
                    descs = [
                        pltpu.async_copy(
                            table_hbm.at[idx.at[j]],
                            rows.at[pl.ds(j * _SUB, _SUB)],
                            gsems[b])
                        for j in range(_NSUB)
                    ]
                    for d in descs:
                        d.wait()
                    pltpu.async_copy(
                        rows, out_hbm.at[pl.ds(ci * _CHUNK, _CHUNK)], ssems[b])
            return carry

        lax.fori_loop(0, n_outer, step, 0)
        for b in range(2):
            pltpu.make_async_copy(
                rowss[b], out_hbm.at[pl.ds(0, _CHUNK)], ssems[b]).wait()

    return k


_sc_kernel = _make_sc_kernel(32)


def kernel(node_type_ids, edge_type_ids, node_type_table, edge_type_table):
    table = jnp.concatenate([node_type_table, edge_type_table], axis=0)
    ids = jnp.concatenate(
        [node_type_ids.astype(jnp.int32),
         edge_type_ids.astype(jnp.int32) + _NUM_NODE_TYPES])
    ids = ids.reshape(_NCHUNKS, _NSUB, _SUB)
    return _sc_kernel(ids, table)

# --- scband reference (transcript-rebuilt; emitter-appended) ---
"""Pipeline reference for scband-hetero-type-embedding-20899310863110 (READ-ONLY COPY).

The authoritative reference and input builder live on the scoring server;
editing this copy changes nothing except your own understanding.
"""

import jax, jax.numpy as jnp
import numpy as np

NUM_NODE_TYPES = 4
NUM_EDGE_TYPES = 6
HIDDEN_DIM = 128
N_NODES = 50000
N_EDGES = 800000


def setup_inputs(seed: int = 0) -> dict:
    key = jax.random.key(seed)
    k1, k2, k3, k4 = jax.random.split(key, 4)
    # Learned parameters: one embedding row per node/edge type, stacked into small tables.
    # (Each nn.Embedding(1, hidden_dim) row, stacked across the ModuleDict keys.)
    node_type_table = jax.random.normal(k1, (NUM_NODE_TYPES, HIDDEN_DIM), dtype=jnp.float32)
    edge_type_table = jax.random.normal(k2, (NUM_EDGE_TYPES, HIDDEN_DIM), dtype=jnp.float32)
    # Per-node and per-edge type ids (the graph-level usage of get_node/edge_type_embedding).
    node_type_ids = jax.random.randint(k3, (N_NODES,), 0, NUM_NODE_TYPES, dtype=jnp.int64 if jax.config.jax_enable_x64 else jnp.int32)
    edge_type_ids = jax.random.randint(k4, (N_EDGES,), 0, NUM_EDGE_TYPES, dtype=jnp.int64 if jax.config.jax_enable_x64 else jnp.int32)
    return {
        "node_type_ids": node_type_ids,
        "edge_type_ids": edge_type_ids,
        "node_type_table": node_type_table,
        "edge_type_table": edge_type_table,
    }


def reference(node_type_ids, edge_type_ids, node_type_table, edge_type_table):
    # get_node_type_embedding(t) == node_type_table[type_index_of(t)]; applied per node/edge
    # via a gather from the stacked type tables (embedding lookup).
    node_emb = jnp.take(node_type_table, node_type_ids, axis=0)  # [N_NODES, HIDDEN_DIM]
    edge_emb = jnp.take(edge_type_table, edge_type_ids, axis=0)  # [N_EDGES, HIDDEN_DIM]
    return jnp.concatenate([node_emb, edge_emb], axis=0)  # [N_NODES + N_EDGES, HIDDEN_DIM]

if __name__ == "__main__":
    import jax
    _d = setup_inputs()
    print(jax.jit(kernel)(*tuple(_d.values())))

</pallas_src>

<mosaic_0001>
#map = affine_map<(d0, d1) -> (0, 0, 0)>
#map1 = affine_map<(d0, d1) -> (0, 0)>
module attributes {stable_mosaic.version = 14 : i64} {
  func.func @k(%arg0: i32, %arg1: i32, %arg2: memref<2125x5x80xi32, #tpu.memory_space<hbm>>, %arg3: memref<10x128xf32, #tpu.memory_space<hbm>>, %arg4: memref<850000x128xf32, #tpu.memory_space<hbm>>, %arg5: memref<5x80xi32, #tpu.memory_space<vmem>>, %arg6: memref<5x80xi32, #tpu.memory_space<vmem>>, %arg7: memref<400x128xf32, #tpu.memory_space<vmem>>, %arg8: memref<400x128xf32, #tpu.memory_space<vmem>>, %arg9: memref<!tpu.dma_semaphore, #tpu.memory_space<semaphore_mem>>, %arg10: memref<!tpu.dma_semaphore, #tpu.memory_space<semaphore_mem>>, %arg11: memref<!tpu.dma_semaphore, #tpu.memory_space<semaphore_mem>>, %arg12: memref<!tpu.dma_semaphore, #tpu.memory_space<semaphore_mem>>) attributes {dimension_semantics = [#tpu.dimension_semantics<core_parallel>, #tpu.dimension_semantics<subcore_parallel>], iteration_bounds = array<i64: 2, 16>, scalar_prefetch = 0 : i64, scratch_operands = 8 : i64, tpu.core_type = #tpu.core_type<sc_vector_subcore>, window_params = [{transform_indices = #map}, {transform_indices = #map1}, {transform_indices = #map1}]} {
    %mul3A = arith.constant 16 : i32
    %mul3A_0 = arith.muli %arg0, %mul3A : i32
    %add3A = arith.addi %mul3A_0, %arg1 : i32
    %scan3A = arith.constant 0 : i32
    %scan3A_1 = arith.constant 0 : i32
    %scan3A_2 = arith.constant 34 : i32
    %scan3A_3 = arith.addi %scan3A_1, %scan3A_2 : i32
    %scan3A_4 = arith.constant 1 : i32
    scf.for %scan3A_17 = %scan3A_1 to %scan3A_3 step %scan3A_4  : i32 {
      %mul3A_18 = arith.constant 2 : i32
      %mul3A_19 = arith.muli %scan3A_17, %mul3A_18 : i32
      %add3A_20 = arith.constant 0 : i32
      %add3A_21 = arith.addi %mul3A_19, %add3A_20 : i32
      %mul3A_22 = arith.constant 32 : i32
      %mul3A_23 = arith.muli %mul3A_22, %add3A_21 : i32
      %add3A_24 = arith.addi %add3A, %mul3A_23 : i32
      %lt3A = arith.constant 2125 : i32
      %lt3A_25 = arith.cmpi slt, %add3A_24, %lt3A : i32
      %ge3A = arith.constant 2 : i32
      %ge3A_26 = arith.cmpi sge, %add3A_21, %ge3A : i32
      %and3A = arith.andi %lt3A_25, %ge3A_26 : i1
      %convert_element_type3A = arith.extui %and3A : i1 to i32
      %cond3A = arith.constant 0 : i32
      %cond3A_27 = arith.cmpi ne, %convert_element_type3A, %cond3A : i32
      scf.if %cond3A_27 {
        %dma_wait3A_49 = arith.constant 0 : i32
        %dma_wait3A_50 = arith.constant 0 : i32
        %dma_wait3A_51 = tpu.memref_slice %arg4[%dma_wait3A_49, %dma_wait3A_50] : memref<850000x128xf32, #tpu.memory_space<hbm>> -> memref<400x128xf32, #tpu.memory_space<hbm>>
        %dma_wait3A_52 = arith.constant 0 : i32
        %dma_wait3A_53 = arith.constant 0 : i32
        %dma_wait3A_54 = tpu.memref_slice %arg4[%dma_wait3A_52, %dma_wait3A_53] : memref<850000x128xf32, #tpu.memory_space<hbm>> -> memref<400x128xf32, #tpu.memory_space<hbm>>
        tpu.wait_dma2 semaphore(%arg11 : memref<!tpu.dma_semaphore, #tpu.memory_space<semaphore_mem>>) src(%arg7 : memref<400x128xf32, #tpu.memory_space<vmem>>) dst(%dma_wait3A_54 : memref<400x128xf32, #tpu.memory_space<hbm>>)
      } else {
      }
      %convert_element_type3A_28 = arith.extui %lt3A_25 : i1 to i32
      %cond3A_29 = arith.constant 0 : i32
      %cond3A_30 = arith.cmpi ne, %convert_element_type3A_28, %cond3A_29 : i32
      scf.if %cond3A_30 {
        "tpu.region"() ({
          %run_scoped3A = tpu.sem_alloc : memref<!tpu.dma_semaphore, #tpu.memory_space<semaphore_mem>>
          %dma_start3A_154 = arith.constant 0 : i32
          %dma_start3A_155 = arith.constant 0 : i32
          %dma_start3A_156 = tpu.memref_slice %arg2[%add3A_24, %dma_start3A_154, %dma_start3A_155] : memref<2125x5x80xi32, #tpu.memory_space<hbm>> -> memref<1x5x80xi32, #tpu.memory_space<hbm>>
          %dma_start3A_157 = tpu.memref_squeeze %dma_start3A_156 : memref<1x5x80xi32, #tpu.memory_space<hbm>> -> memref<5x80xi32, #tpu.memory_space<hbm>>
          %dma_start3A_158 = arith.constant 0 : i32
          %dma_start3A_159 = arith.constant 0 : i32
          %dma_start3A_160 = tpu.memref_slice %arg2[%add3A_24, %dma_start3A_158, %dma_start3A_159] : memref<2125x5x80xi32, #tpu.memory_space<hbm>> -> memref<1x5x80xi32, #tpu.memory_space<hbm>>
          %dma_start3A_161 = tpu.memref_squeeze %dma_start3A_160 : memref<1x5x80xi32, #tpu.memory_space<hbm>> -> memref<5x80xi32, #tpu.memory_space<hbm>>
          tpu.enqueue_dma source(%dma_start3A_161 : memref<5x80xi32, #tpu.memory_space<hbm>>) target(%arg5 : memref<5x80xi32, #tpu.memory_space<vmem>>) target_semaphore(%run_scoped3A : memref<!tpu.dma_semaphore, #tpu.memory_space<semaphore_mem>>)
          %dma_wait3A_162 = arith.constant 0 : i32
          %dma_wait3A_163 = arith.constant 0 : i32
          %dma_wait3A_164 = tpu.memref_slice %arg2[%add3A_24, %dma_wait3A_162, %dma_wait3A_163] : memref<2125x5x80xi32, #tpu.memory_space<hbm>> -> memref<1x5x80xi32, #tpu.memory_space<hbm>>
          %dma_wait3A_165 = tpu.memref_squeeze %dma_wait3A_164 : memref<1x5x80xi32, #tpu.memory_space<hbm>> -> memref<5x80xi32, #tpu.memory_space<hbm>>
          %dma_wait3A_166 = arith.constant 0 : i32
          %dma_wait3A_167 = arith.constant 0 : i32
          %dma_wait3A_168 = tpu.memref_slice %arg2[%add3A_24, %dma_wait3A_166, %dma_wait3A_167] : memref<2125x5x80xi32, #tpu.memory_space<hbm>> -> memref<1x5x80xi32, #tpu.memory_space<hbm>>
          %dma_wait3A_169 = tpu.memref_squeeze %dma_wait3A_168 : memref<1x5x80xi32, #tpu.memory_space<hbm>> -> memref<5x80xi32, #tpu.memory_space<hbm>>
          tpu.wait_dma2 semaphore(%run_scoped3A : memref<!tpu.dma_semaphore, #tpu.memory_space<semaphore_mem>>) src(%dma_wait3A_169 : memref<5x80xi32, #tpu.memory_space<hbm>>) dst(%arg5 : memref<5x80xi32, #tpu.memory_space<vmem>>)
          tpu.yield
        }) : () -> ()
        %dma_start3A = arith.constant 0 : i32
        %dma_start3A_49 = arith.constant 0 : i32
        %dma_start3A_50 = arith.constant 0 : i32
        %dma_start3A_51 = tpu.memref_slice %arg7[%dma_start3A_49, %dma_start3A_50] : memref<400x128xf32, #tpu.memory_space<vmem>> -> memref<80x128xf32, #tpu.memory_space<vmem>>
        %dma_start3A_52 = arith.constant 0 : i32
        %dma_start3A_53 = tpu.memref_slice %arg5[%dma_start3A, %dma_start3A_52] : memref<5x80xi32, #tpu.memory_space<vmem>> -> memref<1x80xi32, #tpu.memory_space<vmem>>
        %dma_start3A_54 = tpu.memref_squeeze %dma_start3A_53 : memref<1x80xi32, #tpu.memory_space<vmem>> -> memref<80xi32, #tpu.memory_space<vmem>>
        %dma_start3A_55 = arith.constant 0 : i32
        %dma_start3A_56 = arith.constant 0 : i32
        %dma_start3A_57 = tpu.memref_slice %arg3[%dma_start3A_55, %dma_start3A_56] : memref<10x128xf32, #tpu.memory_space<hbm>> -> memref<10x128xf32, #tpu.memory_space<hbm>>
        tpu.enqueue_indirect_dma source(%dma_start3A_57 : memref<10x128xf32, #tpu.memory_space<hbm>>) target(%dma_start3A_51 : memref<80x128xf32, #tpu.memory_space<vmem>>) offsets(%dma_start3A_54 : memref<80xi32, #tpu.memory_space<vmem>>) semaphore(%arg9 : memref<!tpu.dma_semaphore, #tpu.memory_space<semaphore_mem>>)
        %dma_start3A_58 = arith.constant 1 : i32
        %dma_start3A_59 = arith.constant 80 : i32
        %dma_start3A_60 = arith.constant 0 : i32
        %dma_start3A_61 = tpu.memref_slice %arg7[%dma_start3A_59, %dma_start3A_60] : memref<400x128xf32, #tpu.memory_space<vmem>> -> memref<80x128xf32, #tpu.memory_space<vmem>>
        %dma_start3A_62 = arith.constant 0 : i32
        %dma_start3A_63 = tpu.memref_slice %arg5[%dma_start3A_58, %dma_start3A_62] : memref<5x80xi32, #tpu.memory_space<vmem>> -> memref<1x80xi32, #tpu.memory_space<vmem>>
        %dma_start3A_64 = tpu.memref_squeeze %dma_start3A_63 : memref<1x80xi32, #tpu.memory_space<vmem>> -> memref<80xi32, #tpu.memory_space<vmem>>
        %dma_start3A_65 = arith.constant 0 : i32
        %dma_start3A_66 = arith.constant 0 : i32
        %dma_start3A_67 = tpu.memref_slice %arg3[%dma_start3A_65, %dma_start3A_66] : memref<10x128xf32, #tpu.memory_space<hbm>> -> memref<10x128xf32, #tpu.memory_space<hbm>>
        tpu.enqueue_indirect_dma source(%dma_start3A_67 : memref<10x128xf32, #tpu.memory_space<hbm>>) target(%dma_start3A_61 : memref<80x128xf32, #tpu.memory_space<vmem>>) offsets(%dma_start3A_64 : memref<80xi32, #tpu.memory_space<vmem>>) semaphore(%arg9 : memref<!tpu.dma_semaphore, #tpu.memory_space<semaphore_mem>>)
        %dma_start3A_68 = arith.constant 2 : i32
        %dma_start3A_69 = arith.constant 160 : i32
        %dma_start3A_70 = arith.constant 0 : i32
        %dma_start3A_71 = tpu.memref_slice %arg7[%dma_start3A_69, %dma_start3A_70] : memref<400x128xf32, #tpu.memory_space<vmem>> -> memref<80x128xf32, #tpu.memory_space<vmem>>
        %dma_start3A_72 = arith.constant 0 : i32
        %dma_start3A_73 = tpu.memref_slice %arg5[%dma_start3A_68, %dma_start3A_72] : memref<5x80xi32, #tpu.memory_space<vmem>> -> memref<1x80xi32, #tpu.memory_space<vmem>>
        %dma_start3A_74 = tpu.memref_squeeze %dma_start3A_73 : memref<1x80xi32, #tpu.memory_space<vmem>> -> memref<80xi32, #tpu.memory_space<vmem>>
        %dma_start3A_75 = arith.constant 0 : i32
        %dma_start3A_76 = arith.constant 0 : i32
        %dma_start3A_77 = tpu.memref_slice %arg3[%dma_start3A_75, %dma_start3A_76] : memref<10x128xf32, #tpu.memory_space<hbm>> -> memref<10x128xf32, #tpu.memory_space<hbm>>
        tpu.enqueue_indirect_dma source(%dma_start3A_77 : memref<10x128xf32, #tpu.memory_space<hbm>>) target(%dma_start3A_71 : memref<80x128xf32, #tpu.memory_space<vmem>>) offsets(%dma_start3A_74 : memref<80xi32, #tpu.memory_space<vmem>>) semaphore(%arg9 : memref<!tpu.dma_semaphore, #tpu.memory_space<semaphore_mem>>)
        %dma_start3A_78 = arith.constant 3 : i32
        %dma_start3A_79 = arith.constant 240 : i32
        %dma_start3A_80 = arith.constant 0 : i32
        %dma_start3A_81 = tpu.memref_slice %arg7[%dma_start3A_79, %dma_start3A_80] : memref<400x128xf32, #tpu.memory_space<vmem>> -> memref<80x128xf32, #tpu.memory_space<vmem>>
        %dma_start3A_82 = arith.constant 0 : i32
        %dma_start3A_83 = tpu.memref_slice %arg5[%dma_start3A_78, %dma_start3A_82] : memref<5x80xi32, #tpu.memory_space<vmem>> -> memref<1x80xi32, #tpu.memory_space<vmem>>
        %dma_start3A_84 = tpu.memref_squeeze %dma_start3A_83 : memref<1x80xi32, #tpu.memory_space<vmem>> -> memref<80xi32, #tpu.memory_space<vmem>>
        %dma_start3A_85 = arith.constant 0 : i32
        %dma_start3A_86 = arith.constant 0 : i32
        %dma_start3A_87 = tpu.memref_slice %arg3[%dma_start3A_85, %dma_start3A_86] : memref<10x128xf32, #tpu.memory_space<hbm>> -> memref<10x128xf32, #tpu.memory_space<hbm>>
        tpu.enqueue_indirect_dma source(%dma_start3A_87 : memref<10x128xf32, #tpu.memory_space<hbm>>) target(%dma_start3A_81 : memref<80x128xf32, #tpu.memory_space<vmem>>) offsets(%dma_start3A_84 : memref<80xi32, #tpu.memory_space<vmem>>) semaphore(%arg9 : memref<!tpu.dma_semaphore, #tpu.memory_space<semaphore_mem>>)
        %dma_start3A_88 = arith.constant 4 : i32
        %dma_start3A_89 = arith.constant 320 : i32
        %dma_start3A_90 = arith.constant 0 : i32
        %dma_start3A_91 = tpu.memref_slice %arg7[%dma_start3A_89, %dma_start3A_90] : memref<400x128xf32, #tpu.memory_space<vmem>> -> memref<80x128xf32, #tpu.memory_space<vmem>>
        %dma_start3A_92 = arith.constant 0 : i32
        %dma_start3A_93 = tpu.memref_slice %arg5[%dma_start3A_88, %dma_start3A_92] : memref<5x80xi32, #tpu.memory_space<vmem>> -> memref<1x80xi32, #tpu.memory_space<vmem>>
        %dma_start3A_94 = tpu.memref_squeeze %dma_start3A_93 : memref<1x80xi32, #tpu.memory_space<vmem>> -> memref<80xi32, #tpu.memory_space<vmem>>
        %dma_start3A_95 = arith.constant 0 : i32
        %dma_start3A_96 = arith.constant 0 : i32
        %dma_start3A_97 = tpu.memref_slice %arg3[%dma_start3A_95, %dma_start3A_96] : memref<10x128xf32, #tpu.memory_space<hbm>> -> memref<10x128xf32, #tpu.memory_space<hbm>>
        tpu.enqueue_indirect_dma source(%dma_start3A_97 : memref<10x128xf32, #tpu.memory_space<hbm>>) target(%dma_start3A_91 : memref<80x128xf32, #tpu.memory_space<vmem>>) offsets(%dma_start3A_94 : memref<80xi32, #tpu.memory_space<vmem>>) semaphore(%arg9 : memref<!tpu.dma_semaphore, #tpu.memory_space<semaphore_mem>>)
        %dma_wait3A_98 = arith.constant 0 : i32
        %dma_wait3A_99 = arith.constant 0 : i32
        %dma_wait3A_100 = arith.constant 0 : i32
        %dma_wait3A_101 = tpu.memref_slice %arg7[%dma_wait3A_99, %dma_wait3A_100] : memref<400x128xf32, #tpu.memory_space<vmem>> -> memref<80x128xf32, #tpu.memory_space<vmem>>
        %dma_wait3A_102 = arith.constant 0 : i32
        %dma_wait3A_103 = tpu.memref_slice %arg5[%dma_wait3A_98, %dma_wait3A_102] : memref<5x80xi32, #tpu.memory_space<vmem>> -> memref<1x80xi32, #tpu.memory_space<vmem>>
        %dma_wait3A_104 = tpu.memref_squeeze %dma_wait3A_103 : memref<1x80xi32, #tpu.memory_space<vmem>> -> memref<80xi32, #tpu.memory_space<vmem>>
        %dma_wait3A_105 = arith.constant 0 : i32
        %dma_wait3A_106 = arith.constant 0 : i32
        %dma_wait3A_107 = tpu.memref_slice %arg3[%dma_wait3A_105, %dma_wait3A_106] : memref<10x128xf32, #tpu.memory_space<hbm>> -> memref<10x128xf32, #tpu.memory_space<hbm>>
        tpu.wait_indirect_dma semaphore(%arg9 : memref<!tpu.dma_semaphore, #tpu.memory_space<semaphore_mem>>) src(%dma_wait3A_107 : memref<10x128xf32, #tpu.memory_space<hbm>>) dst(%dma_wait3A_101 : memref<80x128xf32, #tpu.memory_space<vmem>>)
        %dma_wait3A_108 = arith.constant 1 : i32
        %dma_wait3A_109 = arith.constant 80 : i32
        %dma_wait3A_110 = arith.constant 0 : i32
        %dma_wait3A_111 = tpu.memref_slice %arg7[%dma_wait3A_109, %dma_wait3A_110] : memref<400x128xf32, #tpu.memory_space<vmem>> -> memref<80x128xf32, #tpu.memory_space<vmem>>
        %dma_wait3A_112 = arith.constant 0 : i32
        %dma_wait3A_113 = tpu.memref_slice %arg5[%dma_wait3A_108, %dma_wait3A_112] : memref<5x80xi32, #tpu.memory_space<vmem>> -> memref<1x80xi32, #tpu.memory_space<vmem>>
        %dma_wait3A_114 = tpu.memref_squeeze %dma_wait3A_113 : memref<1x80xi32, #tpu.memory_space<vmem>> -> memref<80xi32, #tpu.memory_space<vmem>>
        %dma_wait3A_115 = arith.constant 0 : i32
        %dma_wait3A_116 = arith.constant 0 : i32
        %dma_wait3A_117 = tpu.memref_slice %arg3[%dma_wait3A_115, %dma_wait3A_116] : memref<10x128xf32, #tpu.memory_space<hbm>> -> memref<10x128xf32, #tpu.memory_space<hbm>>
        tpu.wait_indirect_dma semaphore(%arg9 : memref<!tpu.dma_semaphore, #tpu.memory_space<semaphore_mem>>) src(%dma_wait3A_117 : memref<10x128xf32, #tpu.memory_space<hbm>>) dst(%dma_wait3A_111 : memref<80x128xf32, #tpu.memory_space<vmem>>)
        %dma_wait3A_118 = arith.constant 2 : i32
        %dma_wait3A_119 = arith.constant 160 : i32
        %dma_wait3A_120 = arith.constant 0 : i32
        %dma_wait3A_121 = tpu.memref_slice %arg7[%dma_wait3A_119, %dma_wait3A_120] : memref<400x128xf32, #tpu.memory_space<vmem>> -> memref<80x128xf32, #tpu.memory_space<vmem>>
        %dma_wait3A_122 = arith.constant 0 : i32
        %dma_wait3A_123 = tpu.memref_slice %arg5[%dma_wait3A_118, %dma_wait3A_122] : memref<5x80xi32, #tpu.memory_space<vmem>> -> memref<1x80xi32, #tpu.memory_space<vmem>>
        %dma_wait3A_124 = tpu.memref_squeeze %dma_wait3A_123 : memref<1x80xi32, #tpu.memory_space<vmem>> -> memref<80xi32, #tpu.memory_space<vmem>>
        %dma_wait3A_125 = arith.constant 0 : i32
        %dma_wait3A_126 = arith.constant 0 : i32
        %dma_wait3A_127 = tpu.memref_slice %arg3[%dma_wait3A_125, %dma_wait3A_126] : memref<10x128xf32, #tpu.memory_space<hbm>> -> memref<10x128xf32, #tpu.memory_space<hbm>>
        tpu.wait_indirect_dma semaphore(%arg9 : memref<!tpu.dma_semaphore, #tpu.memory_space<semaphore_mem>>) src(%dma_wait3A_127 : memref<10x128xf32, #tpu.memory_space<hbm>>) dst(%dma_wait3A_121 : memref<80x128xf32, #tpu.memory_space<vmem>>)
        %dma_wait3A_128 = arith.constant 3 : i32
        %dma_wait3A_129 = arith.constant 240 : i32
        %dma_wait3A_130 = arith.constant 0 : i32
        %dma_wait3A_131 = tpu.memref_slice %arg7[%dma_wait3A_129, %dma_wait3A_130] : memref<400x128xf32, #tpu.memory_space<vmem>> -> memref<80x128xf32, #tpu.memory_space<vmem>>
        %dma_wait3A_132 = arith.constant 0 : i32
        %dma_wait3A_133 = tpu.memref_slice %arg5[%dma_wait3A_128, %dma_wait3A_132] : memref<5x80xi32, #tpu.memory_space<vmem>> -> memref<1x80xi32, #tpu.memory_space<vmem>>
        %dma_wait3A_134 = tpu.memref_squeeze %dma_wait3A_133 : memref<1x80xi32, #tpu.memory_space<vmem>> -> memref<80xi32, #tpu.memory_space<vmem>>
        %dma_wait3A_135 = arith.constant 0 : i32
        %dma_wait3A_136 = arith.constant 0 : i32
        %dma_wait3A_137 = tpu.memref_slice %arg3[%dma_wait3A_135, %dma_wait3A_136] : memref<10x128xf32, #tpu.memory_space<hbm>> -> memref<10x128xf32, #tpu.memory_space<hbm>>
        tpu.wait_indirect_dma semaphore(%arg9 : memref<!tpu.dma_semaphore, #tpu.memory_space<semaphore_mem>>) src(%dma_wait3A_137 : memref<10x128xf32, #tpu.memory_space<hbm>>) dst(%dma_wait3A_131 : memref<80x128xf32, #tpu.memory_space<vmem>>)
        %dma_wait3A_138 = arith.constant 4 : i32
        %dma_wait3A_139 = arith.constant 320 : i32
        %dma_wait3A_140 = arith.constant 0 : i32
        %dma_wait3A_141 = tpu.memref_slice %arg7[%dma_wait3A_139, %dma_wait3A_140] : memref<400x128xf32, #tpu.memory_space<vmem>> -> memref<80x128xf32, #tpu.memory_space<vmem>>
        %dma_wait3A_142 = arith.constant 0 : i32
        %dma_wait3A_143 = tpu.memref_slice %arg5[%dma_wait3A_138, %dma_wait3A_142] : memref<5x80xi32, #tpu.memory_space<vmem>> -> memref<1x80xi32, #tpu.memory_space<vmem>>
        %dma_wait3A_144 = tpu.memref_squeeze %dma_wait3A_143 : memref<1x80xi32, #tpu.memory_space<vmem>> -> memref<80xi32, #tpu.memory_space<vmem>>
        %dma_wait3A_145 = arith.constant 0 : i32
        %dma_wait3A_146 = arith.constant 0 : i32
        %dma_wait3A_147 = tpu.memref_slice %arg3[%dma_wait3A_145, %dma_wait3A_146] : memref<10x128xf32, #tpu.memory_space<hbm>> -> memref<10x128xf32, #tpu.memory_space<hbm>>
        tpu.wait_indirect_dma semaphore(%arg9 : memref<!tpu.dma_semaphore, #tpu.memory_space<semaphore_mem>>) src(%dma_wait3A_147 : memref<10x128xf32, #tpu.memory_space<hbm>>) dst(%dma_wait3A_141 : memref<80x128xf32, #tpu.memory_space<vmem>>)
        %mul3A_148 = arith.constant 400 : i32
        %mul3A_149 = arith.muli %add3A_24, %mul3A_148 : i32
        %dma_start3A_150 = arith.constant 0 : i32
        %dma_start3A_151 = tpu.memref_slice %arg4[%mul3A_149, %dma_start3A_150] : memref<850000x128xf32, #tpu.memory_space<hbm>> -> memref<400x128xf32, #tpu.memory_space<hbm>>
        %dma_start3A_152 = arith.constant 0 : i32
        %dma_start3A_153 = tpu.memref_slice %arg4[%mul3A_149, %dma_start3A_152] : memref<850000x128xf32, #tpu.memory_space<hbm>> -> memref<400x128xf32, #tpu.memory_space<hbm>>
        tpu.enqueue_dma source(%arg7 : memref<400x128xf32, #tpu.memory_space<vmem>>) target(%dma_start3A_153 : memref<400x128xf32, #tpu.memory_space<hbm>>) target_semaphore(%arg11 : memref<!tpu.dma_semaphore, #tpu.memory_space<semaphore_mem>>)
      } else {
      }
      %mul3A_31 = arith.constant 2 : i32
      %mul3A_32 = arith.muli %scan3A_17, %mul3A_31 : i32
      %add3A_33 = arith.constant 1 : i32
      %add3A_34 = arith.addi %mul3A_32, %add3A_33 : i32
      %mul3A_35 = arith.constant 32 : i32
      %mul3A_36 = arith.muli %mul3A_35, %add3A_34 : i32
      %add3A_37 = arith.addi %add3A, %mul3A_36 : i32
      %lt3A_38 = arith.constant 2125 : i32
      %lt3A_39 = arith.cmpi slt, %add3A_37, %lt3A_38 : i32
      %ge3A_40 = arith.constant 2 : i32
      %ge3A_41 = arith.cmpi sge, %add3A_34, %ge3A_40 : i32
      %and3A_42 = arith.andi %lt3A_39, %ge3A_41 : i1
      %convert_element_type3A_43 = arith.extui %and3A_42 : i1 to i32
      %cond3A_44 = arith.constant 0 : i32
      %cond3A_45 = arith.cmpi ne, %convert_element_type3A_43, %cond3A_44 : i32
      scf.if %cond3A_45 {
        %dma_wait3A_49 = arith.constant 0 : i32
        %dma_wait3A_50 = arith.constant 0 : i32
        %dma_wait3A_51 = tpu.memref_slice %arg4[%dma_wait3A_49, %dma_wait3A_50] : memref<850000x128xf32, #tpu.memory_space<hbm>> -> memref<400x128xf32, #tpu.memory_space<hbm>>
        %dma_wait3A_52 = arith.constant 0 : i32
        %dma_wait3A_53 = arith.constant 0 : i32
        %dma_wait3A_54 = tpu.memref_slice %arg4[%dma_wait3A_52, %dma_wait3A_53] : memref<850000x128xf32, #tpu.memory_space<hbm>> -> memref<400x128xf32, #tpu.memory_space<hbm>>
        tpu.wait_dma2 semaphore(%arg12 : memref<!tpu.dma_semaphore, #tpu.memory_space<semaphore_mem>>) src(%arg8 : memref<400x128xf32, #tpu.memory_space<vmem>>) dst(%dma_wait3A_54 : memref<400x128xf32, #tpu.memory_space<hbm>>)
      } else {
      }
      %convert_element_type3A_46 = arith.extui %lt3A_39 : i1 to i32
      %cond3A_47 = arith.constant 0 : i32
      %cond3A_48 = arith.cmpi ne, %convert_element_type3A_46, %cond3A_47 : i32
      scf.if %cond3A_48 {
        "tpu.region"() ({
          %run_scoped3A = tpu.sem_alloc : memref<!tpu.dma_semaphore, #tpu.memory_space<semaphore_mem>>
          %dma_start3A_154 = arith.constant 0 : i32
          %dma_start3A_155 = arith.constant 0 : i32
          %dma_start3A_156 = tpu.memref_slice %arg2[%add3A_37, %dma_start3A_154, %dma_start3A_155] : memref<2125x5x80xi32, #tpu.memory_space<hbm>> -> memref<1x5x80xi32, #tpu.memory_space<hbm>>
          %dma_start3A_157 = tpu.memref_squeeze %dma_start3A_156 : memref<1x5x80xi32, #tpu.memory_space<hbm>> -> memref<5x80xi32, #tpu.memory_space<hbm>>
          %dma_start3A_158 = arith.constant 0 : i32
          %dma_start3A_159 = arith.constant 0 : i32
          %dma_start3A_160 = tpu.memref_slice %arg2[%add3A_37, %dma_start3A_158, %dma_start3A_159] : memref<2125x5x80xi32, #tpu.memory_space<hbm>> -> memref<1x5x80xi32, #tpu.memory_space<hbm>>
          %dma_start3A_161 = tpu.memref_squeeze %dma_start3A_160 : memref<1x5x80xi32, #tpu.memory_space<hbm>> -> memref<5x80xi32, #tpu.memory_space<hbm>>
          tpu.enqueue_dma source(%dma_start3A_161 : memref<5x80xi32, #tpu.memory_space<hbm>>) target(%arg6 : memref<5x80xi32, #tpu.memory_space<vmem>>) target_semaphore(%run_scoped3A : memref<!tpu.dma_semaphore, #tpu.memory_space<semaphore_mem>>)
          %dma_wait3A_162 = arith.constant 0 : i32
          %dma_wait3A_163 = arith.constant 0 : i32
          %dma_wait3A_164 = tpu.memref_slice %arg2[%add3A_37, %dma_wait3A_162, %dma_wait3A_163] : memref<2125x5x80xi32, #tpu.memory_space<hbm>> -> memref<1x5x80xi32, #tpu.memory_space<hbm>>
          %dma_wait3A_165 = tpu.memref_squeeze %dma_wait3A_164 : memref<1x5x80xi32, #tpu.memory_space<hbm>> -> memref<5x80xi32, #tpu.memory_space<hbm>>
          %dma_wait3A_166 = arith.constant 0 : i32
          %dma_wait3A_167 = arith.constant 0 : i32
          %dma_wait3A_168 = tpu.memref_slice %arg2[%add3A_37, %dma_wait3A_166, %dma_wait3A_167] : memref<2125x5x80xi32, #tpu.memory_space<hbm>> -> memref<1x5x80xi32, #tpu.memory_space<hbm>>
          %dma_wait3A_169 = tpu.memref_squeeze %dma_wait3A_168 : memref<1x5x80xi32, #tpu.memory_space<hbm>> -> memref<5x80xi32, #tpu.memory_space<hbm>>
          tpu.wait_dma2 semaphore(%run_scoped3A : memref<!tpu.dma_semaphore, #tpu.memory_space<semaphore_mem>>) src(%dma_wait3A_169 : memref<5x80xi32, #tpu.memory_space<hbm>>) dst(%arg6 : memref<5x80xi32, #tpu.memory_space<vmem>>)
          tpu.yield
        }) : () -> ()
        %dma_start3A = arith.constant 0 : i32
        %dma_start3A_49 = arith.constant 0 : i32
        %dma_start3A_50 = arith.constant 0 : i32
        %dma_start3A_51 = tpu.memref_slice %arg8[%dma_start3A_49, %dma_start3A_50] : memref<400x128xf32, #tpu.memory_space<vmem>> -> memref<80x128xf32, #tpu.memory_space<vmem>>
        %dma_start3A_52 = arith.constant 0 : i32
        %dma_start3A_53 = tpu.memref_slice %arg6[%dma_start3A, %dma_start3A_52] : memref<5x80xi32, #tpu.memory_space<vmem>> -> memref<1x80xi32, #tpu.memory_space<vmem>>
        %dma_start3A_54 = tpu.memref_squeeze %dma_start3A_53 : memref<1x80xi32, #tpu.memory_space<vmem>> -> memref<80xi32, #tpu.memory_space<vmem>>
        %dma_start3A_55 = arith.constant 0 : i32
        %dma_start3A_56 = arith.constant 0 : i32
        %dma_start3A_57 = tpu.memref_slice %arg3[%dma_start3A_55, %dma_start3A_56] : memref<10x128xf32, #tpu.memory_space<hbm>> -> memref<10x128xf32, #tpu.memory_space<hbm>>
        tpu.enqueue_indirect_dma source(%dma_start3A_57 : memref<10x128xf32, #tpu.memory_space<hbm>>) target(%dma_start3A_51 : memref<80x128xf32, #tpu.memory_space<vmem>>) offsets(%dma_start3A_54 : memref<80xi32, #tpu.memory_space<vmem>>) semaphore(%arg10 : memref<!tpu.dma_semaphore, #tpu.memory_space<semaphore_mem>>)
        %dma_start3A_58 = arith.constant 1 : i32
        %dma_start3A_59 = arith.constant 80 : i32
        %dma_start3A_60 = arith.constant 0 : i32
        %dma_start3A_61 = tpu.memref_slice %arg8[%dma_start3A_59, %dma_start3A_60] : memref<400x128xf32, #tpu.memory_space<vmem>> -> memref<80x128xf32, #tpu.memory_space<vmem>>
        %dma_start3A_62 = arith.constant 0 : i32
        %dma_start3A_63 = tpu.memref_slice %arg6[%dma_start3A_58, %dma_start3A_62] : memref<5x80xi32, #tpu.memory_space<vmem>> -> memref<1x80xi32, #tpu.memory_space<vmem>>
        %dma_start3A_64 = tpu.memref_squeeze %dma_start3A_63 : memref<1x80xi32, #tpu.memory_space<vmem>> -> memref<80xi32, #tpu.memory_space<vmem>>
        %dma_start3A_65 = arith.constant 0 : i32
        %dma_start3A_66 = arith.constant 0 : i32
        %dma_start3A_67 = tpu.memref_slice %arg3[%dma_start3A_65, %dma_start3A_66] : memref<10x128xf32, #tpu.memory_space<hbm>> -> memref<10x128xf32, #tpu.memory_space<hbm>>
        tpu.enqueue_indirect_dma source(%dma_start3A_67 : memref<10x128xf32, #tpu.memory_space<hbm>>) target(%dma_start3A_61 : memref<80x128xf32, #tpu.memory_space<vmem>>) offsets(%dma_start3A_64 : memref<80xi32, #tpu.memory_space<vmem>>) semaphore(%arg10 : memref<!tpu.dma_semaphore, #tpu.memory_space<semaphore_mem>>)
        %dma_start3A_68 = arith.constant 2 : i32
        %dma_start3A_69 = arith.constant 160 : i32
        %dma_start3A_70 = arith.constant 0 : i32
        %dma_start3A_71 = tpu.memref_slice %arg8[%dma_start3A_69, %dma_start3A_70] : memref<400x128xf32, #tpu.memory_space<vmem>> -> memref<80x128xf32, #tpu.memory_space<vmem>>
        %dma_start3A_72 = arith.constant 0 : i32
        %dma_start3A_73 = tpu.memref_slice %arg6[%dma_start3A_68, %dma_start3A_72] : memref<5x80xi32, #tpu.memory_space<vmem>> -> memref<1x80xi32, #tpu.memory_space<vmem>>
        %dma_start3A_74 = tpu.memref_squeeze %dma_start3A_73 : memref<1x80xi32, #tpu.memory_space<vmem>> -> memref<80xi32, #tpu.memory_space<vmem>>
        %dma_start3A_75 = arith.constant 0 : i32
        %dma_start3A_76 = arith.constant 0 : i32
        %dma_start3A_77 = tpu.memref_slice %arg3[%dma_start3A_75, %dma_start3A_76] : memref<10x128xf32, #tpu.memory_space<hbm>> -> memref<10x128xf32, #tpu.memory_space<hbm>>
        tpu.enqueue_indirect_dma source(%dma_start3A_77 : memref<10x128xf32, #tpu.memory_space<hbm>>) target(%dma_start3A_71 : memref<80x128xf32, #tpu.memory_space<vmem>>) offsets(%dma_start3A_74 : memref<80xi32, #tpu.memory_space<vmem>>) semaphore(%arg10 : memref<!tpu.dma_semaphore, #tpu.memory_space<semaphore_mem>>)
        %dma_start3A_78 = arith.constant 3 : i32
        %dma_start3A_79 = arith.constant 240 : i32
        %dma_start3A_80 = arith.constant 0 : i32
        %dma_start3A_81 = tpu.memref_slice %arg8[%dma_start3A_79, %dma_start3A_80] : memref<400x128xf32, #tpu.memory_space<vmem>> -> memref<80x128xf32, #tpu.memory_space<vmem>>
        %dma_start3A_82 = arith.constant 0 : i32
        %dma_start3A_83 = tpu.memref_slice %arg6[%dma_start3A_78, %dma_start3A_82] : memref<5x80xi32, #tpu.memory_space<vmem>> -> memref<1x80xi32, #tpu.memory_space<vmem>>
        %dma_start3A_84 = tpu.memref_squeeze %dma_start3A_83 : memref<1x80xi32, #tpu.memory_space<vmem>> -> memref<80xi32, #tpu.memory_space<vmem>>
        %dma_start3A_85 = arith.constant 0 : i32
        %dma_start3A_86 = arith.constant 0 : i32
        %dma_start3A_87 = tpu.memref_slice %arg3[%dma_start3A_85, %dma_start3A_86] : memref<10x128xf32, #tpu.memory_space<hbm>> -> memref<10x128xf32, #tpu.memory_space<hbm>>
        tpu.enqueue_indirect_dma source(%dma_start3A_87 : memref<10x128xf32, #tpu.memory_space<hbm>>) target(%dma_start3A_81 : memref<80x128xf32, #tpu.memory_space<vmem>>) offsets(%dma_start3A_84 : memref<80xi32, #tpu.memory_space<vmem>>) semaphore(%arg10 : memref<!tpu.dma_semaphore, #tpu.memory_space<semaphore_mem>>)
        %dma_start3A_88 = arith.constant 4 : i32
        %dma_start3A_89 = arith.constant 320 : i32
        %dma_start3A_90 = arith.constant 0 : i32
        %dma_start3A_91 = tpu.memref_slice %arg8[%dma_start3A_89, %dma_start3A_90] : memref<400x128xf32, #tpu.memory_space<vmem>> -> memref<80x128xf32, #tpu.memory_space<vmem>>
        %dma_start3A_92 = arith.constant 0 : i32
        %dma_start3A_93 = tpu.memref_slice %arg6[%dma_start3A_88, %dma_start3A_92] : memref<5x80xi32, #tpu.memory_space<vmem>> -> memref<1x80xi32, #tpu.memory_space<vmem>>
        %dma_start3A_94 = tpu.memref_squeeze %dma_start3A_93 : memref<1x80xi32, #tpu.memory_space<vmem>> -> memref<80xi32, #tpu.memory_space<vmem>>
        %dma_start3A_95 = arith.constant 0 : i32
        %dma_start3A_96 = arith.constant 0 : i32
        %dma_start3A_97 = tpu.memref_slice %arg3[%dma_start3A_95, %dma_start3A_96] : memref<10x128xf32, #tpu.memory_space<hbm>> -> memref<10x128xf32, #tpu.memory_space<hbm>>
        tpu.enqueue_indirect_dma source(%dma_start3A_97 : memref<10x128xf32, #tpu.memory_space<hbm>>) target(%dma_start3A_91 : memref<80x128xf32, #tpu.memory_space<vmem>>) offsets(%dma_start3A_94 : memref<80xi32, #tpu.memory_space<vmem>>) semaphore(%arg10 : memref<!tpu.dma_semaphore, #tpu.memory_space<semaphore_mem>>)
        %dma_wait3A_98 = arith.constant 0 : i32
        %dma_wait3A_99 = arith.constant 0 : i32
        %dma_wait3A_100 = arith.constant 0 : i32
        %dma_wait3A_101 = tpu.memref_slice %arg8[%dma_wait3A_99, %dma_wait3A_100] : memref<400x128xf32, #tpu.memory_space<vmem>> -> memref<80x128xf32, #tpu.memory_space<vmem>>
        %dma_wait3A_102 = arith.constant 0 : i32
        %dma_wait3A_103 = tpu.memref_slice %arg6[%dma_wait3A_98, %dma_wait3A_102] : memref<5x80xi32, #tpu.memory_space<vmem>> -> memref<1x80xi32, #tpu.memory_space<vmem>>
        %dma_wait3A_104 = tpu.memref_squeeze %dma_wait3A_103 : memref<1x80xi32, #tpu.memory_space<vmem>> -> memref<80xi32, #tpu.memory_space<vmem>>
        %dma_wait3A_105 = arith.constant 0 : i32
        %dma_wait3A_106 = arith.constant 0 : i32
        %dma_wait3A_107 = tpu.memref_slice %arg3[%dma_wait3A_105, %dma_wait3A_106] : memref<10x128xf32, #tpu.memory_space<hbm>> -> memref<10x128xf32, #tpu.memory_space<hbm>>
        tpu.wait_indirect_dma semaphore(%arg10 : memref<!tpu.dma_semaphore, #tpu.memory_space<semaphore_mem>>) src(%dma_wait3A_107 : memref<10x128xf32, #tpu.memory_space<hbm>>) dst(%dma_wait3A_101 : memref<80x128xf32, #tpu.memory_space<vmem>>)
        %dma_wait3A_108 = arith.constant 1 : i32
        %dma_wait3A_109 = arith.constant 80 : i32
        %dma_wait3A_110 = arith.constant 0 : i32
        %dma_wait3A_111 = tpu.memref_slice %arg8[%dma_wait3A_109, %dma_wait3A_110] : memref<400x128xf32, #tpu.memory_space<vmem>> -> memref<80x128xf32, #tpu.memory_space<vmem>>
        %dma_wait3A_112 = arith.constant 0 : i32
        %dma_wait3A_113 = tpu.memref_slice %arg6[%dma_wait3A_108, %dma_wait3A_112] : memref<5x80xi32, #tpu.memory_space<vmem>> -> memref<1x80xi32, #tpu.memory_space<vmem>>
        %dma_wait3A_114 = tpu.memref_squeeze %dma_wait3A_113 : memref<1x80xi32, #tpu.memory_space<vmem>> -> memref<80xi32, #tpu.memory_space<vmem>>
        %dma_wait3A_115 = arith.constant 0 : i32
        %dma_wait3A_116 = arith.constant 0 : i32
        %dma_wait3A_117 = tpu.memref_slice %arg3[%dma_wait3A_115, %dma_wait3A_116] : memref<10x128xf32, #tpu.memory_space<hbm>> -> memref<10x128xf32, #tpu.memory_space<hbm>>
        tpu.wait_indirect_dma semaphore(%arg10 : memref<!tpu.dma_semaphore, #tpu.memory_space<semaphore_mem>>) src(%dma_wait3A_117 : memref<10x128xf32, #tpu.memory_space<hbm>>) dst(%dma_wait3A_111 : memref<80x128xf32, #tpu.memory_space<vmem>>)
        %dma_wait3A_118 = arith.constant 2 : i32
        %dma_wait3A_119 = arith.constant 160 : i32
        %dma_wait3A_120 = arith.constant 0 : i32
        %dma_wait3A_121 = tpu.memref_slice %arg8[%dma_wait3A_119, %dma_wait3A_120] : memref<400x128xf32, #tpu.memory_space<vmem>> -> memref<80x128xf32, #tpu.memory_space<vmem>>
        %dma_wait3A_122 = arith.constant 0 : i32
        %dma_wait3A_123 = tpu.memref_slice %arg6[%dma_wait3A_118, %dma_wait3A_122] : memref<5x80xi32, #tpu.memory_space<vmem>> -> memref<1x80xi32, #tpu.memory_space<vmem>>
        %dma_wait3A_124 = tpu.memref_squeeze %dma_wait3A_123 : memref<1x80xi32, #tpu.memory_space<vmem>> -> memref<80xi32, #tpu.memory_space<vmem>>
        %dma_wait3A_125 = arith.constant 0 : i32
        %dma_wait3A_126 = arith.constant 0 : i32
        %dma_wait3A_127 = tpu.memref_slice %arg3[%dma_wait3A_125, %dma_wait3A_126] : memref<10x128xf32, #tpu.memory_space<hbm>> -> memref<10x128xf32, #tpu.memory_space<hbm>>
        tpu.wait_indirect_dma semaphore(%arg10 : memref<!tpu.dma_semaphore, #tpu.memory_space<semaphore_mem>>) src(%dma_wait3A_127 : memref<10x128xf32, #tpu.memory_space<hbm>>) dst(%dma_wait3A_121 : memref<80x128xf32, #tpu.memory_space<vmem>>)
        %dma_wait3A_128 = arith.constant 3 : i32
        %dma_wait3A_129 = arith.constant 240 : i32
        %dma_wait3A_130 = arith.constant 0 : i32
        %dma_wait3A_131 = tpu.memref_slice %arg8[%dma_wait3A_129, %dma_wait3A_130] : memref<400x128xf32, #tpu.memory_space<vmem>> -> memref<80x128xf32, #tpu.memory_space<vmem>>
        %dma_wait3A_132 = arith.constant 0 : i32
        %dma_wait3A_133 = tpu.memref_slice %arg6[%dma_wait3A_128, %dma_wait3A_132] : memref<5x80xi32, #tpu.memory_space<vmem>> -> memref<1x80xi32, #tpu.memory_space<vmem>>
        %dma_wait3A_134 = tpu.memref_squeeze %dma_wait3A_133 : memref<1x80xi32, #tpu.memory_space<vmem>> -> memref<80xi32, #tpu.memory_space<vmem>>
        %dma_wait3A_135 = arith.constant 0 : i32
        %dma_wait3A_136 = arith.constant 0 : i32
        %dma_wait3A_137 = tpu.memref_slice %arg3[%dma_wait3A_135, %dma_wait3A_136] : memref<10x128xf32, #tpu.memory_space<hbm>> -> memref<10x128xf32, #tpu.memory_space<hbm>>
        tpu.wait_indirect_dma semaphore(%arg10 : memref<!tpu.dma_semaphore, #tpu.memory_space<semaphore_mem>>) src(%dma_wait3A_137 : memref<10x128xf32, #tpu.memory_space<hbm>>) dst(%dma_wait3A_131 : memref<80x128xf32, #tpu.memory_space<vmem>>)
        %dma_wait3A_138 = arith.constant 4 : i32
        %dma_wait3A_139 = arith.constant 320 : i32
        %dma_wait3A_140 = arith.constant 0 : i32
        %dma_wait3A_141 = tpu.memref_slice %arg8[%dma_wait3A_139, %dma_wait3A_140] : memref<400x128xf32, #tpu.memory_space<vmem>> -> memref<80x128xf32, #tpu.memory_space<vmem>>
        %dma_wait3A_142 = arith.constant 0 : i32
        %dma_wait3A_143 = tpu.memref_slice %arg6[%dma_wait3A_138, %dma_wait3A_142] : memref<5x80xi32, #tpu.memory_space<vmem>> -> memref<1x80xi32, #tpu.memory_space<vmem>>
        %dma_wait3A_144 = tpu.memref_squeeze %dma_wait3A_143 : memref<1x80xi32, #tpu.memory_space<vmem>> -> memref<80xi32, #tpu.memory_space<vmem>>
        %dma_wait3A_145 = arith.constant 0 : i32
        %dma_wait3A_146 = arith.constant 0 : i32
        %dma_wait3A_147 = tpu.memref_slice %arg3[%dma_wait3A_145, %dma_wait3A_146] : memref<10x128xf32, #tpu.memory_space<hbm>> -> memref<10x128xf32, #tpu.memory_space<hbm>>
        tpu.wait_indirect_dma semaphore(%arg10 : memref<!tpu.dma_semaphore, #tpu.memory_space<semaphore_mem>>) src(%dma_wait3A_147 : memref<10x128xf32, #tpu.memory_space<hbm>>) dst(%dma_wait3A_141 : memref<80x128xf32, #tpu.memory_space<vmem>>)
        %mul3A_148 = arith.constant 400 : i32
        %mul3A_149 = arith.muli %add3A_37, %mul3A_148 : i32
        %dma_start3A_150 = arith.constant 0 : i32
        %dma_start3A_151 = tpu.memref_slice %arg4[%mul3A_149, %dma_start3A_150] : memref<850000x128xf32, #tpu.memory_space<hbm>> -> memref<400x128xf32, #tpu.memory_space<hbm>>
        %dma_start3A_152 = arith.constant 0 : i32
        %dma_start3A_153 = tpu.memref_slice %arg4[%mul3A_149, %dma_start3A_152] : memref<850000x128xf32, #tpu.memory_space<hbm>> -> memref<400x128xf32, #tpu.memory_space<hbm>>
        tpu.enqueue_dma source(%arg8 : memref<400x128xf32, #tpu.memory_space<vmem>>) target(%dma_start3A_153 : memref<400x128xf32, #tpu.memory_space<hbm>>) target_semaphore(%arg12 : memref<!tpu.dma_semaphore, #tpu.memory_space<semaphore_mem>>)
      } else {
      }
    }
    %scan3A_5 = arith.constant 34 : i32
    %dma_wait3A = arith.constant 0 : i32
    %dma_wait3A_6 = arith.constant 0 : i32
    %dma_wait3A_7 = tpu.memref_slice %arg4[%dma_wait3A, %dma_wait3A_6] : memref<850000x128xf32, #tpu.memory_space<hbm>> -> memref<400x128xf32, #tpu.memory_space<hbm>>
    %dma_wait3A_8 = arith.constant 0 : i32
    %dma_wait3A_9 = arith.constant 0 : i32
    %dma_wait3A_10 = tpu.memref_slice %arg4[%dma_wait3A_8, %dma_wait3A_9] : memref<850000x128xf32, #tpu.memory_space<hbm>> -> memref<400x128xf32, #tpu.memory_space<hbm>>
    tpu.wait_dma2 semaphore(%arg11 : memref<!tpu.dma_semaphore, #tpu.memory_space<semaphore_mem>>) src(%arg7 : memref<400x128xf32, #tpu.memory_space<vmem>>) dst(%dma_wait3A_10 : memref<400x128xf32, #tpu.memory_space<hbm>>)
    %dma_wait3A_11 = arith.constant 0 : i32
    %dma_wait3A_12 = arith.constant 0 : i32
    %dma_wait3A_13 = tpu.memref_slice %arg4[%dma_wait3A_11, %dma_wait3A_12] : memref<850000x128xf32, #tpu.memory_space<hbm>> -> memref<400x128xf32, #tpu.memory_space<hbm>>
    %dma_wait3A_14 = arith.constant 0 : i32
    %dma_wait3A_15 = arith.constant 0 : i32
    %dma_wait3A_16 = tpu.memref_slice %arg4[%dma_wait3A_14, %dma_wait3A_15] : memref<850000x128xf32, #tpu.memory_space<hbm>> -> memref<400x128xf32, #tpu.memory_space<hbm>>
    tpu.wait_dma2 semaphore(%arg12 : memref<!tpu.dma_semaphore, #tpu.memory_space<semaphore_mem>>) src(%arg8 : memref<400x128xf32, #tpu.memory_space<vmem>>) dst(%dma_wait3A_16 : memref<400x128xf32, #tpu.memory_space<hbm>>)
    return
  }
}

</mosaic_0001>

<sc_bundles>
// kernel: kernel.3.cloned.1.call-start
scs
__scs_entry_jumppad:
0x0: {  	(pc) =	sbr.rel $0x88, $3  }
0x1: {  	(tag) =	ssettag $0x0;
	lr =	simm.s32 $0x1  }
0x2: {  	[smem:$0x3F9D] =	sst lr;
	_ =	strace $0xD0000000  }
0x3: {  	_ = 	snop  }
0x4: {  	_ = 	snop  }
0x5: {  	_ = 	snop  }
0x6: {  	_ = 	snop  }
0x7: {  	_ = 	snop  }
__scs_overlays_trampoline_lowered:
0x8: {  	[smem:$0x3FAC] =	sst s0  }
0x9: {  	[smem:$0x3FAD] =	sst s1  }
0xa: {  	[smem:$0x3FAE] =	sst s2  }
0xb: {  	[smem:$0x3FAF] =	sst s3  }
0xc: {  	[smem:$0x3FB0] =	sst s4  }
0xd: {  	[smem:$0x3FB1] =	sst s5  }
0xe: {  	[smem:$0x3FB2] =	sst s6  }
0xf: {  	[smem:$0x3FB3] =	sst s7  }
0x10: {  	[smem:$0x3FB4] =	sst s8  }
0x11: {  	[smem:$0x3FB5] =	sst s9;
	s0 =	simm.s32 @!p0 $0x0  }
0x12: {  	s1 =	sld [smem:$0x3F9B];
	s0 =	simm.s32 @p0 $0x1  }
0x13: {  	[smem:$0x3FB6] =	sst s0;
	s0 =	simm.s32 @!p1 $0x0  }
0x14: {  	s2 =	sld [smem:$0x3F9A];
	s0 =	simm.s32 @p1 $0x1  }
0x15: {  	[smem:$0x3FB7] =	sst s0;
	s0 =	simm.s32 @!p2 $0x0  }
0x16: {  	s3 =	sld [smem:$0x3FDB];
	s0 =	simm.s32 @p2 $0x1  }
0x17: {  	s4 =	simm.s32 $0x1BF5;
	[smem:$0x3FB9] =	sst s0  }
0x18: {  	s0 =	sld [smem:$0x3F9C];
	_ =	swait.ge [sflag:s4], $0x0  }
0x19: {  	s7 =	sld [smem:$0x3F9D]  }
0x1a: {  	s8 =	sadd.s32 $0xFFFFE003, lr  }
0x1b: {  	s9 =	sadd.s32 $0xFFFFFEF7, lr;
	s5 =	simm.s32 $0xFFFFFFFF;
	p2 =	slt.u32 s8, $0xFFFFF086  }
0x1c: {  	p1 =	slt.u32 s9, $0xF7A;
	s5 =	simm.s32 @!p2 $0x0  }
0x1d: {  	s5 =	simm.s32 @p1 $0x1;
	p0 =	seq.s32 s7, s2  }
0x1e: {  	s7 =	smul.u32 @!p0 $0xF7A, s2;
	p2 =	seq.s32 @!p0 s5, $0x0  }
0x1f: {  	s9 =	smul.u32 $0xF7A, s1;
	s8 =	simm.s32 @!p0 $0x1BF5;
	p2 =	por !p2, p0  }
0x20: {  	[sflag:s8] =	ssyncset.s32 @!p0 $0xFFFFF086;
	s6 =	sadd.s32 @!p0 s3, s7;
	s7 =	simm.s32 @!p0 $0x108  }
0x21: {  	s3 =	sadd.s32 s3, s9;
	s6 =	sadd.s32 @!p0 $0x88, s6;
	s7 =	simm.s32 @p2 $0x1082  }
0x22: {  	[simem:s7], [sflag:s8] =	dma.local @!p0 [hbm:s6], $0xF7A  }
0x23: {  	s9 =	sor.u32 $0xD0000000, s2;
	s6 =	simm.s32 $0x108;
	_ =	swait.ge @!p0 [sflag:s8], $0x0  }
0x24: {  	s3 =	sadd.s32 $0x88, s3;
	s6 =	simm.s32 @!p1 $0x1082;
	[sflag:s4] =	ssyncset.s32 $0xFFFFF086  }
0x25: {  	[simem:s6], [sflag:s4] =	dma.local [hbm:s3], $0xF7A  }
0x26: {  	[smem:$0x3F9D] =	sst s1;
	(tag) =	ssettag s2;
	_ =	strace s9  }
0x27: {  	s1 =	sld [smem:$0x3FAD]  }
0x28: {  	s2 =	sld [smem:$0x3FAE]  }
0x29: {  	s4 =	sld [smem:$0x3FB0]  }
0x2a: {  	p0 =	seq.s32 s5, $0x0;
	s5 =	sld [smem:$0x3FB1]  }
0x2b: {  	s6 =	sld [smem:$0x3FB2]  }
0x2c: {  	s7 =	sld [smem:$0x3FB3]  }
0x2d: {  	s3 =	simm.s32 $0x108;
	s8 =	sld [smem:$0x3FB4]  }
0x2e: {  	s3 =	simm.s32 @!p0 $0x1082;
	s9 =	sld [smem:$0x3FB5]  }
0x2f: {  	lr =	sadd.s32 s0, s3;
	s0 =	sld [smem:$0x3FAC]  }
0x30: {  	s3 =	sld [smem:$0x3FAF]  }
0x31: {  	[smem:$0x3FB8] =	sst s10  }
0x32: {  	s10 =	sld [smem:$0x3FB6];
	_ =	sdelay $0x3  }
0x33: {  	p0 =	seq.s32 s10, $0x1;
	s10 =	sld [smem:$0x3FB8];
	_ =	sdelay $0x3  }
0x34: {  	[smem:$0x3FB8] =	sst s10  }
0x35: {  	s10 =	sld [smem:$0x3FB7];
	_ =	sdelay $0x3  }
0x36: {  	p1 =	seq.s32 s10, $0x1;
	s10 =	sld [smem:$0x3FB8];
	_ =	sdelay $0x3  }
0x37: {  	[smem:$0x3FB8] =	sst s10  }
0x38: {  	s10 =	sld [smem:$0x3FB9]  }
0x39: {  	_ = 	snop;
	(pc) =	sbr.ind lr, $3  }
0x3a: {  	_ = 	snop  }
0x3b: {  	_ = 	snop  }
0x3c: {  	p2 =	seq.s32 s10, $0x1;
	s10 =	sld [smem:$0x3FB8]  }
0x3d: {  	_ =	shalt  }
0x3e: {  	_ =	shalt  }
0x3f: {  	_ =	shalt  }
0x40: {  	_ =	shalt  }
0x41: {  	_ =	shalt  }
0x42: {  	_ =	shalt  }
0x43: {  	_ =	shalt  }
0x44: {  	_ =	shalt  }
0x45: {  	_ =	shalt  }
0x46: {  	_ =	shalt  }
0x47: {  	_ =	shalt  }
0x48: {  	_ =	shalt  }
0x49: {  	_ =	shalt  }
0x4a: {  	_ =	shalt  }
0x4b: {  	_ =	shalt  }
0x4c: {  	_ =	shalt  }
0x4d: {  	_ =	shalt  }
0x4e: {  	_ =	shalt  }
0x4f: {  	_ =	shalt  }
0x50: {  	_ =	shalt  }
0x51: {  	_ =	shalt  }
0x52: {  	_ =	shalt  }
0x53: {  	_ =	shalt  }
0x54: {  	_ =	shalt  }
0x55: {  	_ =	shalt  }
0x56: {  	_ =	shalt  }
0x57: {  	_ =	shalt  }
0x58: {  	_ =	shalt  }
0x59: {  	_ =	shalt  }
0x5a: {  	_ =	shalt  }
0x5b: {  	_ =	shalt  }
0x5c: {  	_ =	shalt  }
0x5d: {  	_ =	shalt  }
0x5e: {  	_ =	shalt  }
0x5f: {  	_ =	shalt  }
0x60: {  	_ =	shalt  }
0x61: {  	_ =	shalt  }
0x62: {  	_ =	shalt  }
0x63: {  	_ =	shalt  }
0x64: {  	_ =	shalt  }
0x65: {  	_ =	shalt  }
0x66: {  	_ =	shalt  }
0x67: {  	_ =	shalt  }
0x68: {  	_ =	shalt  }
0x69: {  	_ =	shalt  }
0x6a: {  	_ =	shalt  }
0x6b: {  	_ =	shalt  }
0x6c: {  	_ =	shalt  }
0x6d: {  	_ =	shalt  }
0x6e: {  	_ =	shalt  }
0x6f: {  	_ =	shalt  }
0x70: {  	_ =	shalt  }
0x71: {  	_ =	shalt  }
0x72: {  	_ =	shalt  }
0x73: {  	_ =	shalt  }
0x74: {  	_ =	shalt  }
0x75: {  	_ =	shalt  }
0x76: {  	_ =	shalt  }
0x77: {  	_ =	shalt  }
0x78: {  	_ =	shalt  }
0x79: {  	_ =	shalt  }
0x7a: {  	_ =	shalt  }
0x7b: {  	_ =	shalt  }
0x7c: {  	_ =	shalt  }
0x7d: {  	_ =	shalt  }
0x7e: {  	_ =	shalt  }
0x7f: {  	_ =	shalt  }
0x80: {  	_ =	shalt  }
0x81: {  	_ =	shalt  }
0x82: {  	_ =	shalt  }
0x83: {  	_ =	shalt  }
0x84: {  	_ =	shalt  }
0x85: {  	_ =	shalt  }
0x86: {  	_ =	shalt  }
0x87: {  	_ =	shalt  }
.Lfunc_end0:
.L_simem_size_0:
called_computation_lowered:
.L_overlay_start_0:
0x88: {  	s2 =	sld [smem:$0x3FD9]  }
0x89: {  	s3 =	sld [smem:$0x3FFE];
	_ =	sdelay $0x1  }
0x8a: {  	s1 =	srdreg.scid  }
0x8b: {  	s0 =	sand.u32 $0x1, s1  }
0x8c: {  	s17 =	sshll.u32 s0, $0xA;
	s2 =	sadd.s32 s3, s2  }
0x8d: {  	s2 =	sadd.s32 s2, s17  }
0x8e: {  	[smem:$0x3FC4] =	sst s2  }
0x8f: {  	_ = 	snop  }
0x90: {  	s2 =	sld [smem:$0x3FD0];
	(tm) =	ssettm $0x1  }
0x91: {  	s18 =	sld [smem:$0x3FFB];
	_ =	sdelay $0x3  }
0x92: {  	_ =	strace s18  }
0x93: {  	s3 =	sld [smem:$0x3FFC];
	_ =	sdelay $0x3  }
0x94: {  	_ =	strace s3  }
0x95: {  	s3 =	sld [smem:$0x3FFD];
	_ =	sdelay $0x3  }
0x96: {  	_ =	strace s3  }
0x97: {  	_ =	strace $0x8FFFFFFF  }
0x98: {  	s19 =	sld [smem:$0x3FDB];
	_ =	sdelay $0x1  }
0x99: {  	s4 =	simm.s32 $_scs_section_size  }
0x9a: {  	s5 =	simm.s32 $_size__tile_overlayer_lowered;
	s6 =	simm.s32 $_tile_overlayer_lowered  }
0x9b: {  	s22 =	simm.s32 $0x1BFF;
	s21 =	sshll.u32 s6, $0x1;
	s3 =	sadd.s32 s4, s19  }
0x9c: {  	s7 =	simm.s32 $0x0;
	s20 =	sshll.u32 s5, $0x1;
	s5 =	sadd.s32 s21, s3  }
0x9d: {  	[timem:s7], [sflag:s22] =	dma.local [hbm:s5], s20  }
0x9e: {  	_ =	swait.ge [sflag:s22], s20  }
0x9f: {  	s4 =	ssub.s32 $0x0, s20;
	[sflag:s22] =	ssyncset.done $0x0  }
0xa0: {  	[sflag:s22] =	ssyncadd.s32 s4;
	_ =	sdelay $0x1  }
0xa1: {  	s23 =	simm.s32 $0x1B8B  }
0xa2: {  	_ =	swait.ge [sflag:s23], $0x1  }
0xa3: {  	[sflag:s23] =	ssyncset.done $0x0  }
0xa4: {  	s25 =	simm.s32 $0x1B8E;
	s24 =	sld [smem:$0x3FFE];
	[sflag:s23] =	ssyncadd.s32 $0xFFFFFFFF  }
0xa5: {  	s26 =	simm.s32 $execute0_lowered;
	[smem:$0x3FD2] =	sst s25  }
0xa6: {  	s5 =	sshll.u32 s26, $0x1;
	_ =	strace $0x80000046;
	[dreg:$0x1] =	wrdreg $0xFFFFFFFF  }
0xa7: {  	s28 =	simm.s32 $_size_execute0_lowered;
	s3 =	sadd.s32 s3, s5;
	[dreg:$0x0] =	wrdreg $0x0  }
0xa8: {  	s5 =	sshll.u32 s28, $0x1;
	[dreg:$0x2] =	wrdreg s3  }
0xa9: {  	[dreg:$0x3] =	wrdreg s5  }
0xaa: {  	[dreg:$0x4] =	wrdreg $0xC0  }
0xab: {  	_ =	task [dreg:s7], $0x5FFFF  }
0xac: {  	[dreg:$0x1] =	wrdreg $0xFFFFFFFF  }
0xad: {  	[dreg:$0x0] =	wrdreg $0x60  }
0xae: {  	[dreg:$0x2] =	wrdreg s24  }
0xaf: {  	[dreg:$0x3] =	wrdreg s2  }
0xb0: {  	[dreg:$0x4] =	wrdreg $0x9  }
0xb1: {  	_ =	task.clear_ibuf [dreg:s7], $0x5FFFF;
	_ =	strace $0x90000046  }
0xb2: {  	s29 =	simm.s32 $0x9;
	_ =	strace $0x80000048  }
0xb3: {  	_ =	swait.ge [sflag:s29], $0x1  }
0xb4: {  	[sflag:s29] =	ssyncadd.s32 $0xFFFFFFFF  }
0xb5: {  	_ =	strace $0x90000048  }
0xb6: {  	_ =	sfence  }
0xb7: {  	s30 =	sld [smem:$0x0];
	_ =	sdelay $0x2  }
0xb8: {  	s31 =	sshll.u32 s1, $0xD;
	s1 =	sshrl.u32 s1, $0x2  }
0xb9: {  	s3 =	sand.u32 $0x4000, s31;
	s1 =	sadd.s32 s1, s30  }
0xba: {  	s0 =	sor.u32 s3, s0;
	s1 =	sshll.u32 s1, $0x11  }
0xbb: {  	s0 =	sor.u32 s1, s0  }
0xbc: {  	s0 =	sadd.s32 $0x8F2B, s0  }
0xbd: {  	[sflag:s0] =	ssyncadd.remote.s32 $0x1  }
0xbe: {  	_ =	sfence.sel $0xFFFF  }
0xbf: {  	[dreg:$0x0] =	wrdreg $0xFFFFFFFF;
	(pc) =	sbr.abs _section_cstart, $3  }
0xc0: {  	[dreg:$0x1] =	wrdreg $0xFFFFFFFF  }
0xc1: {  	_ =	task.clear_ibuf [dreg:s7], $0x2FFFF;
	_ =	strace $0x9FFFFFFF  }
0xc2: {  	(tm) =	ssettm $0x7FFFFFFF  }
0xc3: {  	_ =	shalt  }
tec
execute0_lowered:
.L_overlay_start_1:
0x0: {  	(tag) =	ssettag $0x1  }
0x1: {  	s0 =	rddreg [dreg:$0x0]  }
0x2: {  	s2 =	rddreg [dreg:$0x1];
	s1 =	simm.s32 $0x0;
	s3 =	srdreg.scid  }
0x3: {  	s9 =	stileid.u32;
	s10 =	simm.s32 $0x50;
	s11 =	simm.s32 $0x800  }
0x4: {  	s15 =	simm.s32 $0x5800;
	s16 =	simm.s32 $0x180;
	s17 =	simm.s32 $0x8000  }
0x5: {  	s18 =	simm.s32 $0x200;
	s19 =	simm.s32 $0xA800;
	s20 =	simm.s32 $0x1  }
0x6: {  	s21 =	simm.s32 $0x4;
	s22 =	simm.s32 $0x400;
	s28 =	simm.s32 $0x12000  }
0x7: {  	s29 =	simm.s32 $0x580;
	s30 =	simm.s32 $0x14800;
	s31 =	simm.s32 $0x600  }
0x8: {  	s14 =	simm.s32 $0x3000;
	[smem:$0x7FF] =	sst s1;
	s4 =	sand.u32 $0x1, s3  }
0x9: {  	s8 =	smul.u32 $0x1900, s9;
	s25 =	sshll.u32 s9, $0x7;
	_ =	strace $0x80000047  }
0xa: {  	s3 =	sshll.u32 s4, $0xB;
	s23 =	ssub.s32 $0x2, s4;
	s7 =	smul.u32 $0x19000, s4  }
0xb: {  	s4 =	sshll.u32 s4, $0x4;
	s6 =	sadd.s32 s3, s0;
	s5 =	sshrl.u32 s23, $0x1  }
0xc: {  	s3 =	sadd.s32 $0x43200, s0;
	s0 =	ssub.s32 s23, s5;
	s24 =	sadd.s32 s7, s2  }
0xd: {  	s5 =	sor.u32 s4, s9;
	s26 =	sadd.s32 s25, s6;
	s9 =	simm.s32 $0x5  }
.Ltmp0:
0xe: {  	s23 =	simm.s32 $0xD000;
	s25 =	simm.s32 $0xF800;
	(pc) =	sbr.rel .LBB2_1-.Ltmp0, $4  }
0xf: {  	s2 =	simm.s32 $0x2;
	s6 =	simm.s32 $0x0;
	s0 =	smax.u32 s0, $0x1  }
0x10: {  	[dreg:$0x3] =	wrdreg s0;
	s0 =	sadd.s32 s8, s24;
	s8 =	simm.s32 $0x3  }
0x11: {  	s24 =	simm.s32 $0x480;
	[dreg:$0x4] =	wrdreg s0;
	s0 =	sadd.s32 $0xA00, s26  }
0x12: {  	s26 =	simm.s32 $0x500;
	[dreg:$0x5] =	wrdreg s0;
	s0 =	simm.s32 $0x17000  }
.LBB2_11:
0x13: {  	_ =	swait.ge [sflag:s8], $0xC800  }
0x14: {  	[sflag:s8] =	ssyncset.done $0x0  }
0x15: {  	[sflag:s8] =	ssyncadd.s32 $0xFFFF3800  }
0x16: {  	_ =	swait.ge [sflag:s21], $0xC800  }
0x17: {  	s6 =	rddreg [dreg:$0x6]  }
0x18: {  	s4 =	rddreg [dreg:$0x3];
	s6 =	sadd.s32 $0x1, s6  }
0x19: {  	p0 =	sne.s32 s6, s4  }
.Ltmp1:
0x1a: {  	_ = 	snop;
	(pc) =	sbr.rel @!p0 .LBB2_12-.Ltmp1, $3  }
0x1b: {  	_ =	sdelay $0x1  }
0x1c: {  	[sflag:s21] =	ssyncset.done $0x0  }
0x1d: {  	[sflag:s21] =	ssyncadd.s32 $0xFFFF3800  }
.LBB2_1:
.Ltmp2:
0x1e: {  	(pc) =	sbr.rel .LBB2_2-.Ltmp2, $4  }
0x1f: {  	_ = 	snop  }
0x20: {  	[dreg:$0x6] =	wrdreg s6  }
0x21: {  	s7 =	rddreg [dreg:$0x5]  }
0x22: {  	s6 =	rddreg [dreg:$0x4];
	s4 =	simm.s32 $0x0  }
.LBB2_7:
0x23: {  	_ =	swait.ge [sflag:s21], $0xC800  }
0x24: {  	[sflag:s21] =	ssyncset.done $0x0  }
0x25: {  	[sflag:s21] =	ssyncadd.s32 $0xFFFF3800  }
.LBB2_9:
0x26: {  	s12 =	sadd.s32 $0x1000, s7  }
0x27: {  	[tilespmem:s22], [sflag:$0x5] =	stream.linear.gather [hbm4b:s12+s1], $0x280, $0x38;
	[tilespmem:$0x19800] =	vst v63  }
0x28: {  	_ =	swait.ge [sflag:s9], $0x280  }
0x29: {  	[sflag:s9] =	ssyncset.done $0x0  }
0x2a: {  	[sflag:s9] =	ssyncadd.s32 $0xFFFFFD80  }
0x2b: {  	[tilespmem:s23], [sflag:$0x2] =	stream.indirect.gather [hbm4b:s3+s10], $0x80, s22, s10, $0xb8;
	[tilespmem:$0x19800] =	vst v63  }
0x2c: {  	_ = 	snop  }
0x2d: {  	[tilespmem:s25], [sflag:$0x2] =	stream.indirect.gather [hbm4b:s3+s10], $0x80, s24, s10, $0xb8;
	[tilespmem:$0x19800] =	vst v63  }
0x2e: {  	_ = 	snop  }
0x2f: {  	[tilespmem:s28], [sflag:$0x2] =	stream.indirect.gather [hbm4b:s3+s10], $0x80, s26, s10, $0xb8;
	[tilespmem:$0x19800] =	vst v63  }
0x30: {  	_ = 	snop  }
0x31: {  	[tilespmem:s30], [sflag:$0x2] =	stream.indirect.gather [hbm4b:s3+s10], $0x80, s29, s10, $0xb8;
	[tilespmem:$0x19800] =	vst v63  }
0x32: {  	_ = 	snop  }
0x33: {  	[tilespmem:s0], [sflag:$0x2] =	stream.indirect.gather [hbm4b:s3+s10], $0x80, s31, s10, $0xb8;
	[tilespmem:$0x19800] =	vst v63  }
0x34: {  	_ =	swait.ge [sflag:s2], $0x2800  }
0x35: {  	[sflag:s2] =	ssyncset.done $0x0  }
0x36: {  	[sflag:s2] =	ssyncadd.s32 $0xFFFFD800  }
0x37: {  	_ =	swait.ge [sflag:s2], $0x2800  }
0x38: {  	[sflag:s2] =	ssyncset.done $0x0  }
0x39: {  	[sflag:s2] =	ssyncadd.s32 $0xFFFFD800  }
0x3a: {  	_ =	swait.ge [sflag:s2], $0x2800  }
0x3b: {  	[sflag:s2] =	ssyncset.done $0x0  }
0x3c: {  	[sflag:s2] =	ssyncadd.s32 $0xFFFFD800  }
0x3d: {  	_ =	swait.ge [sflag:s2], $0x2800  }
0x3e: {  	[sflag:s2] =	ssyncset.done $0x0  }
0x3f: {  	[sflag:s2] =	ssyncadd.s32 $0xFFFFD800  }
0x40: {  	_ =	swait.ge [sflag:s2], $0x2800  }
0x41: {  	[sflag:s2] =	ssyncset.done $0x0  }
0x42: {  	s13 =	sadd.s32 $0x32000, s6;
	[sflag:s2] =	ssyncadd.s32 $0xFFFFD800  }
0x43: {  	[hbm4b:s13+s1] =	stream.linear.scatter [tilespmem:s23], [sflag:$0x4], $0xC800, $0x38;
	[tilespmem:$0x19800] =	vst v63  }
.LBB2_10:
0x44: {  	s4 =	sadd.s32 $0x40, s4  }
0x45: {  	p0 =	sne.s32 s4, $0x880  }
.Ltmp3:
0x46: {  	_ = 	snop;
	(pc) =	sbr.rel @!p0 .LBB2_11-.Ltmp3, $2  }
0x47: {  	_ =	sdelay $0x2  }
0x48: {  	s6 =	sadd.s32 $0x64000, s6;
	s7 =	sadd.s32 $0x2000, s7  }
.LBB2_2:
0x49: {  	s12 =	sadd.s32 s4, s5;
	p0 =	seq.s32 s4, $0x0  }
0x4a: {  	p1 =	sgt.u32 @!p0 s12, $0x84C  }
0x4b: {  	p1 =	por p0, p1  }
.Ltmp4:
0x4c: {  	_ = 	snop;
	(pc) =	sbr.rel @p1 .LBB2_4-.Ltmp4, $1  }
0x4d: {  	_ =	sdelay $0x3  }
0x4e: {  	_ =	swait.ge [sflag:s8], $0xC800  }
0x4f: {  	[sflag:s8] =	ssyncset.done $0x0  }
0x50: {  	[sflag:s8] =	ssyncadd.s32 $0xFFFF3800  }
.LBB2_5:
0x51: {  	[tilespmem:s1], [sflag:$0x5] =	stream.linear.gather [hbm4b:s7+s1], $0x280, $0x38;
	[tilespmem:$0x19800] =	vst v63  }
0x52: {  	_ =	swait.ge [sflag:s9], $0x280  }
0x53: {  	[sflag:s9] =	ssyncset.done $0x0  }
0x54: {  	[sflag:s9] =	ssyncadd.s32 $0xFFFFFD80  }
0x55: {  	[tilespmem:s11], [sflag:$0x1] =	stream.indirect.gather [hbm4b:s3+s10], $0x80, s1, s10, $0xb8;
	[tilespmem:$0x19800] =	vst v63  }
0x56: {  	s13 =	simm.s32 $0x80  }
0x57: {  	[tilespmem:s14], [sflag:$0x1] =	stream.indirect.gather [hbm4b:s3+s10], $0x80, s13, s10, $0xb8;
	[tilespmem:$0x19800] =	vst v63  }
0x58: {  	s13 =	simm.s32 $0x100  }
0x59: {  	[tilespmem:s15], [sflag:$0x1] =	stream.indirect.gather [hbm4b:s3+s10], $0x80, s13, s10, $0xb8;
	[tilespmem:$0x19800] =	vst v63  }
0x5a: {  	_ = 	snop  }
0x5b: {  	[tilespmem:s17], [sflag:$0x1] =	stream.indirect.gather [hbm4b:s3+s10], $0x80, s16, s10, $0xb8;
	[tilespmem:$0x19800] =	vst v63  }
0x5c: {  	_ = 	snop  }
0x5d: {  	[tilespmem:s19], [sflag:$0x1] =	stream.indirect.gather [hbm4b:s3+s10], $0x80, s18, s10, $0xb8;
	[tilespmem:$0x19800] =	vst v63  }
0x5e: {  	_ =	swait.ge [sflag:s20], $0x2800  }
0x5f: {  	[sflag:s20] =	ssyncset.done $0x0  }
0x60: {  	[sflag:s20] =	ssyncadd.s32 $0xFFFFD800  }
0x61: {  	_ =	swait.ge [sflag:s20], $0x2800  }
0x62: {  	[sflag:s20] =	ssyncset.done $0x0  }
0x63: {  	[sflag:s20] =	ssyncadd.s32 $0xFFFFD800  }
0x64: {  	_ =	swait.ge [sflag:s20], $0x2800  }
0x65: {  	[sflag:s20] =	ssyncset.done $0x0  }
0x66: {  	[sflag:s20] =	ssyncadd.s32 $0xFFFFD800  }
0x67: {  	_ =	swait.ge [sflag:s20], $0x2800  }
0x68: {  	[sflag:s20] =	ssyncset.done $0x0  }
0x69: {  	[sflag:s20] =	ssyncadd.s32 $0xFFFFD800  }
0x6a: {  	_ =	swait.ge [sflag:s20], $0x2800  }
0x6b: {  	[sflag:s20] =	ssyncset.done $0x0  }
0x6c: {  	[sflag:s20] =	ssyncadd.s32 $0xFFFFD800  }
0x6d: {  	[hbm4b:s6+s1] =	stream.linear.scatter [tilespmem:s11], [sflag:$0x3], $0xC800, $0x38;
	[tilespmem:$0x19800] =	vst v63  }
.LBB2_6:
0x6e: {  	s12 =	sadd.s32 $0x20, s12  }
0x6f: {  	p1 =	sgt.u32 @!p0 s12, $0x84C  }
0x70: {  	p0 =	por p0, p1  }
.Ltmp5:
0x71: {  	_ = 	snop;
	(pc) =	sbr.rel @!p0 .LBB2_7-.Ltmp5, $1  }
0x72: {  	_ =	sdelay $0x3  }
0x73: {  	p0 =	sgt.u32 s12, $0x84C  }
.Ltmp6:
0x74: {  	_ = 	snop;
	(pc) =	sbr.rel @p0 .LBB2_10-.Ltmp6, $4  }
.Ltmp7:
0x75: {  	_ = 	snop;
	(pc) =	sbr.rel @!p0 .LBB2_9-.Ltmp7, $4  }
0x76: {  	_ = 	snop  }
0x77: {  	_ = 	snop  }
0x78: {  	_ = 	snop  }
0x79: {  	_ = 	snop  }
.LBB2_4:
0x7a: {  	p1 =	sgt.u32 s12, $0x84C  }
.Ltmp8:
0x7b: {  	_ = 	snop;
	(pc) =	sbr.rel @p1 .LBB2_6-.Ltmp8, $4  }
.Ltmp9:
0x7c: {  	_ = 	snop;
	(pc) =	sbr.rel @!p1 .LBB2_5-.Ltmp9, $4  }
0x7d: {  	_ = 	snop  }
0x7e: {  	_ = 	snop  }
0x7f: {  	_ = 	snop  }
0x80: {  	_ = 	snop  }
.LBB2_12:
0x81: {  	_ =	sfence.sel $0x180000  }
0x82: {  	[bflag:$0x0] =	sbarrier.arrive $0xFFFF  }
0x83: {  	_ =	strace $0x90000047  }
0x84: {  	s0 =	stileid.u32;
	[bflag:$0x2] =	sbarrier.arrive $0xFFFF  }
0x85: {  	p0 =	sne.s32 s0, $0x0;
	s0 =	rddreg [dreg:$0x2]  }
0x86: {  	s0 =	sadd.s32 @!p0 $0x100000, s0  }
0x87: {  	[sflag:s0] =	ssyncadd.tile.s32 @!p0 $0x1;
	_ =	shalt  }
.Lfunc_end2:
_tile_overlayer_lowered:
.L_overlay_start_2:
0x88: {  	(tag) =	ssettag $0x2  }
0x89: {  	s0 =	rddreg [dreg:$0x0];
	s2 =	stileid.u32  }
0x8a: {  	s1 =	rddreg [dreg:$0x1];
	p0 =	sne.s32 s2, $0x0  }
0x8b: {  	s3 =	rddreg [dreg:$0x2];
	[bflag:$0x3] =	sbarrier.arrive $0xFFFF;
	s2 =	simm.s32 @!p0 $0x1C05  }
0x8c: {  	[timem:s3], [sflag:s2] =	dma.local @!p0 [hbm:s0], s1  }
0x8d: {  	s0 =	simm.s32 @!p0 $0x5  }
0x8e: {  	_ =	swait.ge @!p0 [sflag:s0], s1  }
0x8f: {  	s1 =	ssub.s32 @!p0 $0x0, s1;
	[sflag:s0] =	ssyncset.done @!p0 $0x0  }
0x90: {  	[sflag:s0] =	ssyncadd.s32 @!p0 s1  }
0x91: {  	[bflag:$0x3] =	sbarrier.arrive $0xFFFF  }
0x92: {  	_ =	shalt  }

</sc_bundles>
